<compile_context>
chip_gen: v7x
topology: tpu7x:2x2x1
jax: 0.10.2.dev20260603
libtpu: 0.0.44.dev20260713+nightly
codegen_flags: <defaults>
</compile_context>

<pallas_src>
import functools

import jax
import jax.numpy as jnp
from jax import lax
from jax.experimental import pallas as pl
from jax.experimental.pallas import tpu as pltpu
from jax.experimental.pallas import tpu_sc as plsc

_H = 1000
_ST = _H // 8


def _sc_body(xt_hbm, out_hbm, idx_v, slab_v, sem, s):
    b = idx_v.shape[0]
    nchunk = b // 16
    info = plsc.get_sparse_core_info()
    wid = lax.axis_index("c") * info.num_subcores + lax.axis_index("s")
    nw = info.num_cores * info.num_subcores
    st_lo = (_ST * wid) // nw
    st_hi = (_ST * (wid + 1)) // nw
    n_st = st_hi - st_lo
    total = s * n_st

    one = jnp.full((16,), 1.0, jnp.float32)
    zero = jnp.zeros((16,), jnp.float32)

    def _flat(f, _):
        j = f // n_st
        st = st_lo + f % n_st
        p = f & 1
        c0 = st * 8

        @pl.when(f % n_st == 0)
        def _():
            pltpu.sync_copy(xt_hbm.at[j], idx_v)

        @pl.when(f >= 2)
        def _():
            pltpu.make_async_copy(
                slab_v.at[pl.ds(p * 8, 8)], out_hbm.at[j, pl.ds(0, 8)], sem
            ).wait()

        def _chunk(k, ___):
            v = idx_v[pl.ds(k * 16, 16)]
            u = v - c0
            for r in range(8):
                slab_v[p * 8 + r, pl.ds(k * 16, 16)] = jnp.where(u == r, one, zero)
            return 0
        lax.fori_loop(0, nchunk, _chunk, 0)
        pltpu.async_copy(
            slab_v.at[pl.ds(p * 8, 8)], out_hbm.at[j, pl.ds(c0, 8)], sem
        )
        return 0
    lax.fori_loop(0, total, _flat, 0)

    def _drain(d, _):
        pltpu.make_async_copy(
            slab_v.at[pl.ds(d * 8, 8)], out_hbm.at[0, pl.ds(0, 8)], sem
        ).wait()
        return 0
    lax.fori_loop(0, 2, _drain, 0)


def kernel(x):
    b, s = x.shape
    xt = x.T.astype(jnp.int32)
    mesh = plsc.VectorSubcoreMesh(core_axis_name="c", subcore_axis_name="s")
    k = pl.kernel(
        functools.partial(_sc_body, s=s),
        mesh=mesh,
        out_type=jax.ShapeDtypeStruct((s, _H, b), jnp.float32),
        scratch_types=[
            pltpu.VMEM((b,), jnp.int32),
            pltpu.VMEM((16, b), jnp.float32),
            pltpu.SemaphoreType.DMA,
        ],
    )
    out = k(xt)
    return jnp.transpose(out, (2, 0, 1))

# --- scband reference (transcript-rebuilt; emitter-appended) ---
"""Pipeline reference for scband-one-hot-embedding-6949257085639 (READ-ONLY COPY).

The authoritative reference and input builder live on the scoring server;
editing this copy changes nothing except your own understanding.
"""

import jax, jax.numpy as jnp
import numpy as np

HIDDEN_SIZE = 1000

def setup_inputs(seed: int = 0) -> dict:
    key = jax.random.key(seed)
    x = jax.random.randint(key, (4096, 26), 0, HIDDEN_SIZE, dtype=jnp.int64 if jax.config.jax_enable_x64 else jnp.int32)
    return {"x": x}

def reference(x) -> jnp.ndarray:
    # Faithful translation of F.one_hot(x, num_classes=hidden_size).float()
    return jax.nn.one_hot(x, HIDDEN_SIZE, dtype=jnp.float32)

if __name__ == "__main__":
    import jax
    _d = setup_inputs()
    print(jax.jit(kernel)(*tuple(_d.values())))

</pallas_src>

<mosaic_0001>
#map = affine_map<(d0, d1) -> (0, 0)>
#map1 = affine_map<(d0, d1) -> (0, 0, 0)>
module attributes {stable_mosaic.version = 14 : i64} {
  func.func @_sc_body(%arg0: i32, %arg1: i32, %arg2: memref<26x4096xi32, #tpu.memory_space<hbm>>, %arg3: memref<26x1000x4096xf32, #tpu.memory_space<hbm>>, %arg4: memref<4096xi32, #tpu.memory_space<vmem>>, %arg5: memref<16x4096xf32, #tpu.memory_space<vmem>>, %arg6: memref<!tpu.dma_semaphore, #tpu.memory_space<semaphore_mem>>) attributes {dimension_semantics = [#tpu.dimension_semantics<core_parallel>, #tpu.dimension_semantics<subcore_parallel>], iteration_bounds = array<i64: 2, 16>, scalar_prefetch = 0 : i64, scratch_operands = 3 : i64, tpu.core_type = #tpu.core_type<sc_vector_subcore>, window_params = [{transform_indices = #map}, {transform_indices = #map1}]} {
    %mul3A = arith.constant 16 : i32
    %mul3A_0 = arith.muli %arg0, %mul3A : i32
    %add3A = arith.addi %mul3A_0, %arg1 : i32
    %mul3A_1 = arith.constant 125 : i32
    %mul3A_2 = arith.muli %mul3A_1, %add3A : i32
    %jit3A = arith.constant 32 : i32
    %div3A = arith.divsi %mul3A_2, %jit3A : i32
    %sign3A = arith.constant 0 : i32
    %sign3A_3 = arith.cmpi sgt, %mul3A_2, %sign3A : i32
    %sign3A_4 = arith.extui %sign3A_3 : i1 to i32
    %sign3A_5 = arith.constant 0 : i32
    %sign3A_6 = arith.cmpi slt, %mul3A_2, %sign3A_5 : i32
    %sign3A_7 = arith.extui %sign3A_6 : i1 to i32
    %sign3A_8 = arith.subi %sign3A_4, %sign3A_7 : i32
    %sign3A_9 = arith.constant 0 : i32
    %sign3A_10 = arith.cmpi sgt, %jit3A, %sign3A_9 : i32
    %sign3A_11 = arith.extui %sign3A_10 : i1 to i32
    %sign3A_12 = arith.constant 0 : i32
    %sign3A_13 = arith.cmpi slt, %jit3A, %sign3A_12 : i32
    %sign3A_14 = arith.extui %sign3A_13 : i1 to i32
    %sign3A_15 = arith.subi %sign3A_11, %sign3A_14 : i32
    %ne3A = arith.cmpi ne, %sign3A_8, %sign3A_15 : i32
    %rem3A = arith.remsi %mul3A_2, %jit3A : i32
    %ne3A_16 = arith.constant 0 : i32
    %ne3A_17 = arith.cmpi ne, %rem3A, %ne3A_16 : i32
    %and3A = arith.andi %ne3A, %ne3A_17 : i1
    %sub3A = arith.constant 1 : i32
    %sub3A_18 = arith.subi %div3A, %sub3A : i32
    %select_n3A = arith.select %and3A, %sub3A_18, %div3A : i32
    %add3A_19 = arith.constant 1 : i32
    %add3A_20 = arith.addi %add3A, %add3A_19 : i32
    %mul3A_21 = arith.constant 125 : i32
    %mul3A_22 = arith.muli %mul3A_21, %add3A_20 : i32
    %jit3A_23 = arith.constant 32 : i32
    %div3A_24 = arith.divsi %mul3A_22, %jit3A_23 : i32
    %sign3A_25 = arith.constant 0 : i32
    %sign3A_26 = arith.cmpi sgt, %mul3A_22, %sign3A_25 : i32
    %sign3A_27 = arith.extui %sign3A_26 : i1 to i32
    %sign3A_28 = arith.constant 0 : i32
    %sign3A_29 = arith.cmpi slt, %mul3A_22, %sign3A_28 : i32
    %sign3A_30 = arith.extui %sign3A_29 : i1 to i32
    %sign3A_31 = arith.subi %sign3A_27, %sign3A_30 : i32
    %sign3A_32 = arith.constant 0 : i32
    %sign3A_33 = arith.cmpi sgt, %jit3A_23, %sign3A_32 : i32
    %sign3A_34 = arith.extui %sign3A_33 : i1 to i32
    %sign3A_35 = arith.constant 0 : i32
    %sign3A_36 = arith.cmpi slt, %jit3A_23, %sign3A_35 : i32
    %sign3A_37 = arith.extui %sign3A_36 : i1 to i32
    %sign3A_38 = arith.subi %sign3A_34, %sign3A_37 : i32
    %ne3A_39 = arith.cmpi ne, %sign3A_31, %sign3A_38 : i32
    %rem3A_40 = arith.remsi %mul3A_22, %jit3A_23 : i32
    %ne3A_41 = arith.constant 0 : i32
    %ne3A_42 = arith.cmpi ne, %rem3A_40, %ne3A_41 : i32
    %and3A_43 = arith.andi %ne3A_39, %ne3A_42 : i1
    %sub3A_44 = arith.constant 1 : i32
    %sub3A_45 = arith.subi %div3A_24, %sub3A_44 : i32
    %select_n3A_46 = arith.select %and3A_43, %sub3A_45, %div3A_24 : i32
    %sub3A_47 = arith.subi %select_n3A_46, %select_n3A : i32
    %mul3A_48 = arith.constant 26 : i32
    %mul3A_49 = arith.muli %mul3A_48, %sub3A_47 : i32
    %broadcast_in_dim3A = arith.constant 1.000000e+00 : f32
    %broadcast_in_dim3A_50 = vector.broadcast %broadcast_in_dim3A : f32 to vector<16xf32>
    %broadcast_in_dim3A_51 = arith.constant 0.000000e+00 : f32
    %broadcast_in_dim3A_52 = vector.broadcast %broadcast_in_dim3A_51 : f32 to vector<16xf32>
    %while3A = arith.constant 0 : i32
    %while3A_53 = arith.constant 0 : i32
    %while3A_54 = arith.subi %mul3A_49, %while3A : i32
    %while3A_55 = arith.addi %while3A, %while3A_54 : i32
    %while3A_56 = arith.constant 1 : i32
    %while3A_57 = arith.divsi %while3A_54, %while3A_56 : i32
    %while3A_58 = arith.muli %while3A_57, %while3A_56 : i32
    %while3A_59 = arith.addi %while3A, %while3A_58 : i32
    %while3A_60 = arith.constant 1 : i32
    %while3A_61 = scf.for %while3A_70 = %while3A to %while3A_59 step %while3A_60 iter_args(%while3A_71 = %while3A_53) -> (i32)  : i32 {
      %div3A_72 = arith.divsi %while3A_70, %sub3A_47 : i32
      %sign3A_73 = arith.constant 0 : i32
      %sign3A_74 = arith.cmpi sgt, %while3A_70, %sign3A_73 : i32
      %sign3A_75 = arith.extui %sign3A_74 : i1 to i32
      %sign3A_76 = arith.constant 0 : i32
      %sign3A_77 = arith.cmpi slt, %while3A_70, %sign3A_76 : i32
      %sign3A_78 = arith.extui %sign3A_77 : i1 to i32
      %sign3A_79 = arith.subi %sign3A_75, %sign3A_78 : i32
      %sign3A_80 = arith.constant 0 : i32
      %sign3A_81 = arith.cmpi sgt, %sub3A_47, %sign3A_80 : i32
      %sign3A_82 = arith.extui %sign3A_81 : i1 to i32
      %sign3A_83 = arith.constant 0 : i32
      %sign3A_84 = arith.cmpi slt, %sub3A_47, %sign3A_83 : i32
      %sign3A_85 = arith.extui %sign3A_84 : i1 to i32
      %sign3A_86 = arith.subi %sign3A_82, %sign3A_85 : i32
      %ne3A_87 = arith.cmpi ne, %sign3A_79, %sign3A_86 : i32
      %rem3A_88 = arith.remsi %while3A_70, %sub3A_47 : i32
      %ne3A_89 = arith.constant 0 : i32
      %ne3A_90 = arith.cmpi ne, %rem3A_88, %ne3A_89 : i32
      %and3A_91 = arith.andi %ne3A_87, %ne3A_90 : i1
      %sub3A_92 = arith.constant 1 : i32
      %sub3A_93 = arith.subi %div3A_72, %sub3A_92 : i32
      %select_n3A_94 = arith.select %and3A_91, %sub3A_93, %div3A_72 : i32
      %eq3A = arith.constant 0 : i32
      %eq3A_95 = arith.cmpi eq, %sub3A_47, %eq3A : i32
      %jit3A_96 = arith.constant 1 : i32
      %select_n3A_97 = arith.select %eq3A_95, %jit3A_96, %sub3A_47 : i32
      %rem3A_98 = arith.remsi %while3A_70, %select_n3A_97 : i32
      %ne3A_99 = arith.constant 0 : i32
      %ne3A_100 = arith.cmpi ne, %rem3A_98, %ne3A_99 : i32
      %lt3A = arith.constant 0 : i32
      %lt3A_101 = arith.cmpi slt, %rem3A_98, %lt3A : i32
      %lt3A_102 = arith.constant 0 : i32
      %lt3A_103 = arith.cmpi slt, %select_n3A_97, %lt3A_102 : i32
      %ne3A_104 = arith.xori %lt3A_101, %lt3A_103 : i1
      %and3A_105 = arith.andi %ne3A_104, %ne3A_100 : i1
      %add3A_106 = arith.addi %rem3A_98, %select_n3A_97 : i32
      %select_n3A_107 = arith.select %and3A_105, %add3A_106, %rem3A_98 : i32
      %add3A_108 = arith.addi %select_n3A, %select_n3A_107 : i32
      %and3A_109 = arith.constant 1 : i32
      %and3A_110 = arith.andi %while3A_70, %and3A_109 : i32
      %mul3A_111 = arith.constant 8 : i32
      %mul3A_112 = arith.muli %add3A_108, %mul3A_111 : i32
      %eq3A_113 = arith.constant 0 : i32
      %eq3A_114 = arith.cmpi eq, %sub3A_47, %eq3A_113 : i32
      %jit3A_115 = arith.constant 1 : i32
      %select_n3A_116 = arith.select %eq3A_114, %jit3A_115, %sub3A_47 : i32
      %rem3A_117 = arith.remsi %while3A_70, %select_n3A_116 : i32
      %ne3A_118 = arith.constant 0 : i32
      %ne3A_119 = arith.cmpi ne, %rem3A_117, %ne3A_118 : i32
      %lt3A_120 = arith.constant 0 : i32
      %lt3A_121 = arith.cmpi slt, %rem3A_117, %lt3A_120 : i32
      %lt3A_122 = arith.constant 0 : i32
      %lt3A_123 = arith.cmpi slt, %select_n3A_116, %lt3A_122 : i32
      %ne3A_124 = arith.xori %lt3A_121, %lt3A_123 : i1
      %and3A_125 = arith.andi %ne3A_124, %ne3A_119 : i1
      %add3A_126 = arith.addi %rem3A_117, %select_n3A_116 : i32
      %select_n3A_127 = arith.select %and3A_125, %add3A_126, %rem3A_117 : i32
      %eq3A_128 = arith.constant 0 : i32
      %eq3A_129 = arith.cmpi eq, %select_n3A_127, %eq3A_128 : i32
      %convert_element_type3A = arith.extui %eq3A_129 : i1 to i32
      %cond3A = arith.constant 0 : i32
      %cond3A_130 = arith.cmpi ne, %convert_element_type3A, %cond3A : i32
      scf.if %cond3A_130 {
        "tpu.region"() ({
          %run_scoped3A = tpu.sem_alloc : memref<!tpu.dma_semaphore, #tpu.memory_space<semaphore_mem>>
          %dma_start3A_154 = arith.constant 0 : i32
          %dma_start3A_155 = tpu.memref_slice %arg2[%select_n3A_94, %dma_start3A_154] : memref<26x4096xi32, #tpu.memory_space<hbm>> -> memref<1x4096xi32, #tpu.memory_space<hbm>>
          %dma_start3A_156 = tpu.memref_squeeze %dma_start3A_155 : memref<1x4096xi32, #tpu.memory_space<hbm>> -> memref<4096xi32, #tpu.memory_space<hbm>>
          %dma_start3A_157 = arith.constant 0 : i32
          %dma_start3A_158 = tpu.memref_slice %arg2[%select_n3A_94, %dma_start3A_157] : memref<26x4096xi32, #tpu.memory_space<hbm>> -> memref<1x4096xi32, #tpu.memory_space<hbm>>
          %dma_start3A_159 = tpu.memref_squeeze %dma_start3A_158 : memref<1x4096xi32, #tpu.memory_space<hbm>> -> memref<4096xi32, #tpu.memory_space<hbm>>
          tpu.enqueue_dma source(%dma_start3A_159 : memref<4096xi32, #tpu.memory_space<hbm>>) target(%arg4 : memref<4096xi32, #tpu.memory_space<vmem>>) target_semaphore(%run_scoped3A : memref<!tpu.dma_semaphore, #tpu.memory_space<semaphore_mem>>)
          %dma_wait3A = arith.constant 0 : i32
          %dma_wait3A_160 = tpu.memref_slice %arg2[%select_n3A_94, %dma_wait3A] : memref<26x4096xi32, #tpu.memory_space<hbm>> -> memref<1x4096xi32, #tpu.memory_space<hbm>>
          %dma_wait3A_161 = tpu.memref_squeeze %dma_wait3A_160 : memref<1x4096xi32, #tpu.memory_space<hbm>> -> memref<4096xi32, #tpu.memory_space<hbm>>
          %dma_wait3A_162 = arith.constant 0 : i32
          %dma_wait3A_163 = tpu.memref_slice %arg2[%select_n3A_94, %dma_wait3A_162] : memref<26x4096xi32, #tpu.memory_space<hbm>> -> memref<1x4096xi32, #tpu.memory_space<hbm>>
          %dma_wait3A_164 = tpu.memref_squeeze %dma_wait3A_163 : memref<1x4096xi32, #tpu.memory_space<hbm>> -> memref<4096xi32, #tpu.memory_space<hbm>>
          tpu.wait_dma2 semaphore(%run_scoped3A : memref<!tpu.dma_semaphore, #tpu.memory_space<semaphore_mem>>) src(%dma_wait3A_164 : memref<4096xi32, #tpu.memory_space<hbm>>) dst(%arg4 : memref<4096xi32, #tpu.memory_space<vmem>>)
          tpu.yield
        }) : () -> ()
      } else {
      }
      %ge3A = arith.constant 2 : i32
      %ge3A_131 = arith.cmpi sge, %while3A_70, %ge3A : i32
      %convert_element_type3A_132 = arith.extui %ge3A_131 : i1 to i32
      %cond3A_133 = arith.constant 0 : i32
      %cond3A_134 = arith.cmpi ne, %convert_element_type3A_132, %cond3A_133 : i32
      scf.if %cond3A_134 {
        %mul3A_154 = arith.constant 8 : i32
        %mul3A_155 = arith.muli %and3A_110, %mul3A_154 : i32
        %dma_wait3A = arith.constant 0 : i32
        %dma_wait3A_156 = tpu.memref_slice %arg5[%mul3A_155, %dma_wait3A] : memref<16x4096xf32, #tpu.memory_space<vmem>> -> memref<8x4096xf32, #tpu.memory_space<vmem>>
        %dma_wait3A_157 = arith.constant 0 : i32
        %dma_wait3A_158 = arith.constant 0 : i32
        %dma_wait3A_159 = tpu.memref_slice %arg3[%select_n3A_94, %dma_wait3A_157, %dma_wait3A_158] : memref<26x1000x4096xf32, #tpu.memory_space<hbm>> -> memref<1x8x4096xf32, #tpu.memory_space<hbm>>
        %dma_wait3A_160 = tpu.memref_squeeze %dma_wait3A_159 : memref<1x8x4096xf32, #tpu.memory_space<hbm>> -> memref<8x4096xf32, #tpu.memory_space<hbm>>
        %dma_wait3A_161 = arith.constant 0 : i32
        %dma_wait3A_162 = arith.constant 0 : i32
        %dma_wait3A_163 = tpu.memref_slice %arg3[%select_n3A_94, %dma_wait3A_161, %dma_wait3A_162] : memref<26x1000x4096xf32, #tpu.memory_space<hbm>> -> memref<1x8x4096xf32, #tpu.memory_space<hbm>>
        %dma_wait3A_164 = tpu.memref_squeeze %dma_wait3A_163 : memref<1x8x4096xf32, #tpu.memory_space<hbm>> -> memref<8x4096xf32, #tpu.memory_space<hbm>>
        %dma_wait3A_165 = arith.constant 0 : i32
        %dma_wait3A_166 = tpu.memref_slice %arg5[%mul3A_155, %dma_wait3A_165] : memref<16x4096xf32, #tpu.memory_space<vmem>> -> memref<8x4096xf32, #tpu.memory_space<vmem>>
        tpu.wait_dma2 semaphore(%arg6 : memref<!tpu.dma_semaphore, #tpu.memory_space<semaphore_mem>>) src(%dma_wait3A_166 : memref<8x4096xf32, #tpu.memory_space<vmem>>) dst(%dma_wait3A_164 : memref<8x4096xf32, #tpu.memory_space<hbm>>)
      } else {
      }
      %scan3A_135 = arith.constant 0 : i32
      %scan3A_136 = arith.constant 0 : i32
      %scan3A_137 = arith.constant 256 : i32
      %scan3A_138 = arith.addi %scan3A_136, %scan3A_137 : i32
      %scan3A_139 = arith.constant 1 : i32
      %scan3A_140 = scf.for %scan3A_154 = %scan3A_136 to %scan3A_138 step %scan3A_139 iter_args(%scan3A_155 = %scan3A_135) -> (i32)  : i32 {
        %mul3A_156 = arith.constant 16 : i32
        %mul3A_157 = arith.muli %scan3A_154, %mul3A_156 : i32
        %get3A = arith.index_cast %mul3A_157 : i32 to index
        %get3A_158 = tpu.vector_load %arg4[%get3A] {strides = array<i32>} : memref<4096xi32, #tpu.memory_space<vmem>>, vector<16xi32>,
        %get3A_159 = vector.shape_cast %get3A_158 : vector<16xi32> to vector<16xi32>
        %sub3A_160 = vector.broadcast %mul3A_112 : i32 to vector<16xi32>
        %sub3A_161 = arith.subi %get3A_159, %sub3A_160 : vector<16xi32>
        %eq3A_162 = arith.constant 0 : i32
        %eq3A_163 = vector.broadcast %eq3A_162 : i32 to vector<16xi32>
        %eq3A_164 = arith.cmpi eq, %sub3A_161, %eq3A_163 : vector<16xi32>
        %select_n3A_165 = arith.select %eq3A_164, %broadcast_in_dim3A_50, %broadcast_in_dim3A_52 : vector<16xi1>, vector<16xf32>
        %mul3A_166 = arith.constant 8 : i32
        %mul3A_167 = arith.muli %and3A_110, %mul3A_166 : i32
        %add3A_168 = arith.constant 0 : i32
        %add3A_169 = arith.addi %mul3A_167, %add3A_168 : i32
        %mul3A_170 = arith.constant 16 : i32
        %mul3A_171 = arith.muli %scan3A_154, %mul3A_170 : i32
        %swap3A = arith.index_cast %add3A_169 : i32 to index
        %swap3A_172 = arith.index_cast %mul3A_171 : i32 to index
        %swap3A_173 = tpu.vector_load %arg5[%swap3A, %swap3A_172] {strides = array<i32>} : memref<16x4096xf32, #tpu.memory_space<vmem>>, vector<1x16xf32>,
        %swap3A_174 = vector.shape_cast %swap3A_173 : vector<1x16xf32> to vector<16xf32>
        %swap3A_175 = vector.shape_cast %select_n3A_165 : vector<16xf32> to vector<1x16xf32>
        tpu.vector_store %arg5[%swap3A, %swap3A_172], %swap3A_175 {strides = array<i32>} : memref<16x4096xf32, #tpu.memory_space<vmem>>, vector<1x16xf32>,
        %eq3A_176 = arith.constant 1 : i32
        %eq3A_177 = vector.broadcast %eq3A_176 : i32 to vector<16xi32>
        %eq3A_178 = arith.cmpi eq, %sub3A_161, %eq3A_177 : vector<16xi32>
        %select_n3A_179 = arith.select %eq3A_178, %broadcast_in_dim3A_50, %broadcast_in_dim3A_52 : vector<16xi1>, vector<16xf32>
        %mul3A_180 = arith.constant 8 : i32
        %mul3A_181 = arith.muli %and3A_110, %mul3A_180 : i32
        %add3A_182 = arith.constant 1 : i32
        %add3A_183 = arith.addi %mul3A_181, %add3A_182 : i32
        %mul3A_184 = arith.constant 16 : i32
        %mul3A_185 = arith.muli %scan3A_154, %mul3A_184 : i32
        %swap3A_186 = arith.index_cast %add3A_183 : i32 to index
        %swap3A_187 = arith.index_cast %mul3A_185 : i32 to index
        %swap3A_188 = tpu.vector_load %arg5[%swap3A_186, %swap3A_187] {strides = array<i32>} : memref<16x4096xf32, #tpu.memory_space<vmem>>, vector<1x16xf32>,
        %swap3A_189 = vector.shape_cast %swap3A_188 : vector<1x16xf32> to vector<16xf32>
        %swap3A_190 = vector.shape_cast %select_n3A_179 : vector<16xf32> to vector<1x16xf32>
        tpu.vector_store %arg5[%swap3A_186, %swap3A_187], %swap3A_190 {strides = array<i32>} : memref<16x4096xf32, #tpu.memory_space<vmem>>, vector<1x16xf32>,
        %eq3A_191 = arith.constant 2 : i32
        %eq3A_192 = vector.broadcast %eq3A_191 : i32 to vector<16xi32>
        %eq3A_193 = arith.cmpi eq, %sub3A_161, %eq3A_192 : vector<16xi32>
        %select_n3A_194 = arith.select %eq3A_193, %broadcast_in_dim3A_50, %broadcast_in_dim3A_52 : vector<16xi1>, vector<16xf32>
        %mul3A_195 = arith.constant 8 : i32
        %mul3A_196 = arith.muli %and3A_110, %mul3A_195 : i32
        %add3A_197 = arith.constant 2 : i32
        %add3A_198 = arith.addi %mul3A_196, %add3A_197 : i32
        %mul3A_199 = arith.constant 16 : i32
        %mul3A_200 = arith.muli %scan3A_154, %mul3A_199 : i32
        %swap3A_201 = arith.index_cast %add3A_198 : i32 to index
        %swap3A_202 = arith.index_cast %mul3A_200 : i32 to index
        %swap3A_203 = tpu.vector_load %arg5[%swap3A_201, %swap3A_202] {strides = array<i32>} : memref<16x4096xf32, #tpu.memory_space<vmem>>, vector<1x16xf32>,
        %swap3A_204 = vector.shape_cast %swap3A_203 : vector<1x16xf32> to vector<16xf32>
        %swap3A_205 = vector.shape_cast %select_n3A_194 : vector<16xf32> to vector<1x16xf32>
        tpu.vector_store %arg5[%swap3A_201, %swap3A_202], %swap3A_205 {strides = array<i32>} : memref<16x4096xf32, #tpu.memory_space<vmem>>, vector<1x16xf32>,
        %eq3A_206 = arith.constant 3 : i32
        %eq3A_207 = vector.broadcast %eq3A_206 : i32 to vector<16xi32>
        %eq3A_208 = arith.cmpi eq, %sub3A_161, %eq3A_207 : vector<16xi32>
        %select_n3A_209 = arith.select %eq3A_208, %broadcast_in_dim3A_50, %broadcast_in_dim3A_52 : vector<16xi1>, vector<16xf32>
        %mul3A_210 = arith.constant 8 : i32
        %mul3A_211 = arith.muli %and3A_110, %mul3A_210 : i32
        %add3A_212 = arith.constant 3 : i32
        %add3A_213 = arith.addi %mul3A_211, %add3A_212 : i32
        %mul3A_214 = arith.constant 16 : i32
        %mul3A_215 = arith.muli %scan3A_154, %mul3A_214 : i32
        %swap3A_216 = arith.index_cast %add3A_213 : i32 to index
        %swap3A_217 = arith.index_cast %mul3A_215 : i32 to index
        %swap3A_218 = tpu.vector_load %arg5[%swap3A_216, %swap3A_217] {strides = array<i32>} : memref<16x4096xf32, #tpu.memory_space<vmem>>, vector<1x16xf32>,
        %swap3A_219 = vector.shape_cast %swap3A_218 : vector<1x16xf32> to vector<16xf32>
        %swap3A_220 = vector.shape_cast %select_n3A_209 : vector<16xf32> to vector<1x16xf32>
        tpu.vector_store %arg5[%swap3A_216, %swap3A_217], %swap3A_220 {strides = array<i32>} : memref<16x4096xf32, #tpu.memory_space<vmem>>, vector<1x16xf32>,
        %eq3A_221 = arith.constant 4 : i32
        %eq3A_222 = vector.broadcast %eq3A_221 : i32 to vector<16xi32>
        %eq3A_223 = arith.cmpi eq, %sub3A_161, %eq3A_222 : vector<16xi32>
        %select_n3A_224 = arith.select %eq3A_223, %broadcast_in_dim3A_50, %broadcast_in_dim3A_52 : vector<16xi1>, vector<16xf32>
        %mul3A_225 = arith.constant 8 : i32
        %mul3A_226 = arith.muli %and3A_110, %mul3A_225 : i32
        %add3A_227 = arith.constant 4 : i32
        %add3A_228 = arith.addi %mul3A_226, %add3A_227 : i32
        %mul3A_229 = arith.constant 16 : i32
        %mul3A_230 = arith.muli %scan3A_154, %mul3A_229 : i32
        %swap3A_231 = arith.index_cast %add3A_228 : i32 to index
        %swap3A_232 = arith.index_cast %mul3A_230 : i32 to index
        %swap3A_233 = tpu.vector_load %arg5[%swap3A_231, %swap3A_232] {strides = array<i32>} : memref<16x4096xf32, #tpu.memory_space<vmem>>, vector<1x16xf32>,
        %swap3A_234 = vector.shape_cast %swap3A_233 : vector<1x16xf32> to vector<16xf32>
        %swap3A_235 = vector.shape_cast %select_n3A_224 : vector<16xf32> to vector<1x16xf32>
        tpu.vector_store %arg5[%swap3A_231, %swap3A_232], %swap3A_235 {strides = array<i32>} : memref<16x4096xf32, #tpu.memory_space<vmem>>, vector<1x16xf32>,
        %eq3A_236 = arith.constant 5 : i32
        %eq3A_237 = vector.broadcast %eq3A_236 : i32 to vector<16xi32>
        %eq3A_238 = arith.cmpi eq, %sub3A_161, %eq3A_237 : vector<16xi32>
        %select_n3A_239 = arith.select %eq3A_238, %broadcast_in_dim3A_50, %broadcast_in_dim3A_52 : vector<16xi1>, vector<16xf32>
        %mul3A_240 = arith.constant 8 : i32
        %mul3A_241 = arith.muli %and3A_110, %mul3A_240 : i32
        %add3A_242 = arith.constant 5 : i32
        %add3A_243 = arith.addi %mul3A_241, %add3A_242 : i32
        %mul3A_244 = arith.constant 16 : i32
        %mul3A_245 = arith.muli %scan3A_154, %mul3A_244 : i32
        %swap3A_246 = arith.index_cast %add3A_243 : i32 to index
        %swap3A_247 = arith.index_cast %mul3A_245 : i32 to index
        %swap3A_248 = tpu.vector_load %arg5[%swap3A_246, %swap3A_247] {strides = array<i32>} : memref<16x4096xf32, #tpu.memory_space<vmem>>, vector<1x16xf32>,
        %swap3A_249 = vector.shape_cast %swap3A_248 : vector<1x16xf32> to vector<16xf32>
        %swap3A_250 = vector.shape_cast %select_n3A_239 : vector<16xf32> to vector<1x16xf32>
        tpu.vector_store %arg5[%swap3A_246, %swap3A_247], %swap3A_250 {strides = array<i32>} : memref<16x4096xf32, #tpu.memory_space<vmem>>, vector<1x16xf32>,
        %eq3A_251 = arith.constant 6 : i32
        %eq3A_252 = vector.broadcast %eq3A_251 : i32 to vector<16xi32>
        %eq3A_253 = arith.cmpi eq, %sub3A_161, %eq3A_252 : vector<16xi32>
        %select_n3A_254 = arith.select %eq3A_253, %broadcast_in_dim3A_50, %broadcast_in_dim3A_52 : vector<16xi1>, vector<16xf32>
        %mul3A_255 = arith.constant 8 : i32
        %mul3A_256 = arith.muli %and3A_110, %mul3A_255 : i32
        %add3A_257 = arith.constant 6 : i32
        %add3A_258 = arith.addi %mul3A_256, %add3A_257 : i32
        %mul3A_259 = arith.constant 16 : i32
        %mul3A_260 = arith.muli %scan3A_154, %mul3A_259 : i32
        %swap3A_261 = arith.index_cast %add3A_258 : i32 to index
        %swap3A_262 = arith.index_cast %mul3A_260 : i32 to index
        %swap3A_263 = tpu.vector_load %arg5[%swap3A_261, %swap3A_262] {strides = array<i32>} : memref<16x4096xf32, #tpu.memory_space<vmem>>, vector<1x16xf32>,
        %swap3A_264 = vector.shape_cast %swap3A_263 : vector<1x16xf32> to vector<16xf32>
        %swap3A_265 = vector.shape_cast %select_n3A_254 : vector<16xf32> to vector<1x16xf32>
        tpu.vector_store %arg5[%swap3A_261, %swap3A_262], %swap3A_265 {strides = array<i32>} : memref<16x4096xf32, #tpu.memory_space<vmem>>, vector<1x16xf32>,
        %eq3A_266 = arith.constant 7 : i32
        %eq3A_267 = vector.broadcast %eq3A_266 : i32 to vector<16xi32>
        %eq3A_268 = arith.cmpi eq, %sub3A_161, %eq3A_267 : vector<16xi32>
        %select_n3A_269 = arith.select %eq3A_268, %broadcast_in_dim3A_50, %broadcast_in_dim3A_52 : vector<16xi1>, vector<16xf32>
        %mul3A_270 = arith.constant 8 : i32
        %mul3A_271 = arith.muli %and3A_110, %mul3A_270 : i32
        %add3A_272 = arith.constant 7 : i32
        %add3A_273 = arith.addi %mul3A_271, %add3A_272 : i32
        %mul3A_274 = arith.constant 16 : i32
        %mul3A_275 = arith.muli %scan3A_154, %mul3A_274 : i32
        %swap3A_276 = arith.index_cast %add3A_273 : i32 to index
        %swap3A_277 = arith.index_cast %mul3A_275 : i32 to index
        %swap3A_278 = tpu.vector_load %arg5[%swap3A_276, %swap3A_277] {strides = array<i32>} : memref<16x4096xf32, #tpu.memory_space<vmem>>, vector<1x16xf32>,
        %swap3A_279 = vector.shape_cast %swap3A_278 : vector<1x16xf32> to vector<16xf32>
        %swap3A_280 = vector.shape_cast %select_n3A_269 : vector<16xf32> to vector<1x16xf32>
        tpu.vector_store %arg5[%swap3A_276, %swap3A_277], %swap3A_280 {strides = array<i32>} : memref<16x4096xf32, #tpu.memory_space<vmem>>, vector<1x16xf32>,
        %scan3A_281 = arith.constant 0 : i32
        scf.yield %scan3A_281 : i32
      }
      %scan3A_141 = arith.constant 256 : i32
      %mul3A_142 = arith.constant 8 : i32
      %mul3A_143 = arith.muli %and3A_110, %mul3A_142 : i32
      %dma_start3A = arith.constant 0 : i32
      %dma_start3A_144 = tpu.memref_slice %arg5[%mul3A_143, %dma_start3A] : memref<16x4096xf32, #tpu.memory_space<vmem>> -> memref<8x4096xf32, #tpu.memory_space<vmem>>
      %dma_start3A_145 = arith.constant 0 : i32
      %dma_start3A_146 = tpu.memref_slice %arg3[%select_n3A_94, %mul3A_112, %dma_start3A_145] : memref<26x1000x4096xf32, #tpu.memory_space<hbm>> -> memref<1x8x4096xf32, #tpu.memory_space<hbm>>
      %dma_start3A_147 = tpu.memref_squeeze %dma_start3A_146 : memref<1x8x4096xf32, #tpu.memory_space<hbm>> -> memref<8x4096xf32, #tpu.memory_space<hbm>>
      %dma_start3A_148 = arith.constant 0 : i32
      %dma_start3A_149 = tpu.memref_slice %arg3[%select_n3A_94, %mul3A_112, %dma_start3A_148] : memref<26x1000x4096xf32, #tpu.memory_space<hbm>> -> memref<1x8x4096xf32, #tpu.memory_space<hbm>>
      %dma_start3A_150 = tpu.memref_squeeze %dma_start3A_149 : memref<1x8x4096xf32, #tpu.memory_space<hbm>> -> memref<8x4096xf32, #tpu.memory_space<hbm>>
      %dma_start3A_151 = arith.constant 0 : i32
      %dma_start3A_152 = tpu.memref_slice %arg5[%mul3A_143, %dma_start3A_151] : memref<16x4096xf32, #tpu.memory_space<vmem>> -> memref<8x4096xf32, #tpu.memory_space<vmem>>
      tpu.enqueue_dma source(%dma_start3A_152 : memref<8x4096xf32, #tpu.memory_space<vmem>>) target(%dma_start3A_150 : memref<8x4096xf32, #tpu.memory_space<hbm>>) target_semaphore(%arg6 : memref<!tpu.dma_semaphore, #tpu.memory_space<semaphore_mem>>)
      %while3A_153 = arith.constant 0 : i32
      scf.yield %while3A_153 : i32
    }
    %while3A_62 = arith.constant 1 : i32
    %while3A_63 = scf.for %while3A_70 = %while3A_59 to %while3A_55 step %while3A_62 iter_args(%while3A_71 = %while3A_61) -> (i32)  : i32 {
      %div3A_72 = arith.divsi %while3A_70, %sub3A_47 : i32
      %sign3A_73 = arith.constant 0 : i32
      %sign3A_74 = arith.cmpi sgt, %while3A_70, %sign3A_73 : i32
      %sign3A_75 = arith.extui %sign3A_74 : i1 to i32
      %sign3A_76 = arith.constant 0 : i32
      %sign3A_77 = arith.cmpi slt, %while3A_70, %sign3A_76 : i32
      %sign3A_78 = arith.extui %sign3A_77 : i1 to i32
      %sign3A_79 = arith.subi %sign3A_75, %sign3A_78 : i32
      %sign3A_80 = arith.constant 0 : i32
      %sign3A_81 = arith.cmpi sgt, %sub3A_47, %sign3A_80 : i32
      %sign3A_82 = arith.extui %sign3A_81 : i1 to i32
      %sign3A_83 = arith.constant 0 : i32
      %sign3A_84 = arith.cmpi slt, %sub3A_47, %sign3A_83 : i32
      %sign3A_85 = arith.extui %sign3A_84 : i1 to i32
      %sign3A_86 = arith.subi %sign3A_82, %sign3A_85 : i32
      %ne3A_87 = arith.cmpi ne, %sign3A_79, %sign3A_86 : i32
      %rem3A_88 = arith.remsi %while3A_70, %sub3A_47 : i32
      %ne3A_89 = arith.constant 0 : i32
      %ne3A_90 = arith.cmpi ne, %rem3A_88, %ne3A_89 : i32
      %and3A_91 = arith.andi %ne3A_87, %ne3A_90 : i1
      %sub3A_92 = arith.constant 1 : i32
      %sub3A_93 = arith.subi %div3A_72, %sub3A_92 : i32
      %select_n3A_94 = arith.select %and3A_91, %sub3A_93, %div3A_72 : i32
      %eq3A = arith.constant 0 : i32
      %eq3A_95 = arith.cmpi eq, %sub3A_47, %eq3A : i32
      %jit3A_96 = arith.constant 1 : i32
      %select_n3A_97 = arith.select %eq3A_95, %jit3A_96, %sub3A_47 : i32
      %rem3A_98 = arith.remsi %while3A_70, %select_n3A_97 : i32
      %ne3A_99 = arith.constant 0 : i32
      %ne3A_100 = arith.cmpi ne, %rem3A_98, %ne3A_99 : i32
      %lt3A = arith.constant 0 : i32
      %lt3A_101 = arith.cmpi slt, %rem3A_98, %lt3A : i32
      %lt3A_102 = arith.constant 0 : i32
      %lt3A_103 = arith.cmpi slt, %select_n3A_97, %lt3A_102 : i32
      %ne3A_104 = arith.xori %lt3A_101, %lt3A_103 : i1
      %and3A_105 = arith.andi %ne3A_104, %ne3A_100 : i1
      %add3A_106 = arith.addi %rem3A_98, %select_n3A_97 : i32
      %select_n3A_107 = arith.select %and3A_105, %add3A_106, %rem3A_98 : i32
      %add3A_108 = arith.addi %select_n3A, %select_n3A_107 : i32
      %and3A_109 = arith.constant 1 : i32
      %and3A_110 = arith.andi %while3A_70, %and3A_109 : i32
      %mul3A_111 = arith.constant 8 : i32
      %mul3A_112 = arith.muli %add3A_108, %mul3A_111 : i32
      %eq3A_113 = arith.constant 0 : i32
      %eq3A_114 = arith.cmpi eq, %sub3A_47, %eq3A_113 : i32
      %jit3A_115 = arith.constant 1 : i32
      %select_n3A_116 = arith.select %eq3A_114, %jit3A_115, %sub3A_47 : i32
      %rem3A_117 = arith.remsi %while3A_70, %select_n3A_116 : i32
      %ne3A_118 = arith.constant 0 : i32
      %ne3A_119 = arith.cmpi ne, %rem3A_117, %ne3A_118 : i32
      %lt3A_120 = arith.constant 0 : i32
      %lt3A_121 = arith.cmpi slt, %rem3A_117, %lt3A_120 : i32
      %lt3A_122 = arith.constant 0 : i32
      %lt3A_123 = arith.cmpi slt, %select_n3A_116, %lt3A_122 : i32
      %ne3A_124 = arith.xori %lt3A_121, %lt3A_123 : i1
      %and3A_125 = arith.andi %ne3A_124, %ne3A_119 : i1
      %add3A_126 = arith.addi %rem3A_117, %select_n3A_116 : i32
      %select_n3A_127 = arith.select %and3A_125, %add3A_126, %rem3A_117 : i32
      %eq3A_128 = arith.constant 0 : i32
      %eq3A_129 = arith.cmpi eq, %select_n3A_127, %eq3A_128 : i32
      %convert_element_type3A = arith.extui %eq3A_129 : i1 to i32
      %cond3A = arith.constant 0 : i32
      %cond3A_130 = arith.cmpi ne, %convert_element_type3A, %cond3A : i32
      scf.if %cond3A_130 {
        "tpu.region"() ({
          %run_scoped3A = tpu.sem_alloc : memref<!tpu.dma_semaphore, #tpu.memory_space<semaphore_mem>>
          %dma_start3A_154 = arith.constant 0 : i32
          %dma_start3A_155 = tpu.memref_slice %arg2[%select_n3A_94, %dma_start3A_154] : memref<26x4096xi32, #tpu.memory_space<hbm>> -> memref<1x4096xi32, #tpu.memory_space<hbm>>
          %dma_start3A_156 = tpu.memref_squeeze %dma_start3A_155 : memref<1x4096xi32, #tpu.memory_space<hbm>> -> memref<4096xi32, #tpu.memory_space<hbm>>
          %dma_start3A_157 = arith.constant 0 : i32
          %dma_start3A_158 = tpu.memref_slice %arg2[%select_n3A_94, %dma_start3A_157] : memref<26x4096xi32, #tpu.memory_space<hbm>> -> memref<1x4096xi32, #tpu.memory_space<hbm>>
          %dma_start3A_159 = tpu.memref_squeeze %dma_start3A_158 : memref<1x4096xi32, #tpu.memory_space<hbm>> -> memref<4096xi32, #tpu.memory_space<hbm>>
          tpu.enqueue_dma source(%dma_start3A_159 : memref<4096xi32, #tpu.memory_space<hbm>>) target(%arg4 : memref<4096xi32, #tpu.memory_space<vmem>>) target_semaphore(%run_scoped3A : memref<!tpu.dma_semaphore, #tpu.memory_space<semaphore_mem>>)
          %dma_wait3A = arith.constant 0 : i32
          %dma_wait3A_160 = tpu.memref_slice %arg2[%select_n3A_94, %dma_wait3A] : memref<26x4096xi32, #tpu.memory_space<hbm>> -> memref<1x4096xi32, #tpu.memory_space<hbm>>
          %dma_wait3A_161 = tpu.memref_squeeze %dma_wait3A_160 : memref<1x4096xi32, #tpu.memory_space<hbm>> -> memref<4096xi32, #tpu.memory_space<hbm>>
          %dma_wait3A_162 = arith.constant 0 : i32
          %dma_wait3A_163 = tpu.memref_slice %arg2[%select_n3A_94, %dma_wait3A_162] : memref<26x4096xi32, #tpu.memory_space<hbm>> -> memref<1x4096xi32, #tpu.memory_space<hbm>>
          %dma_wait3A_164 = tpu.memref_squeeze %dma_wait3A_163 : memref<1x4096xi32, #tpu.memory_space<hbm>> -> memref<4096xi32, #tpu.memory_space<hbm>>
          tpu.wait_dma2 semaphore(%run_scoped3A : memref<!tpu.dma_semaphore, #tpu.memory_space<semaphore_mem>>) src(%dma_wait3A_164 : memref<4096xi32, #tpu.memory_space<hbm>>) dst(%arg4 : memref<4096xi32, #tpu.memory_space<vmem>>)
          tpu.yield
        }) : () -> ()
      } else {
      }
      %ge3A = arith.constant 2 : i32
      %ge3A_131 = arith.cmpi sge, %while3A_70, %ge3A : i32
      %convert_element_type3A_132 = arith.extui %ge3A_131 : i1 to i32
      %cond3A_133 = arith.constant 0 : i32
      %cond3A_134 = arith.cmpi ne, %convert_element_type3A_132, %cond3A_133 : i32
      scf.if %cond3A_134 {
        %mul3A_154 = arith.constant 8 : i32
        %mul3A_155 = arith.muli %and3A_110, %mul3A_154 : i32
        %dma_wait3A = arith.constant 0 : i32
        %dma_wait3A_156 = tpu.memref_slice %arg5[%mul3A_155, %dma_wait3A] : memref<16x4096xf32, #tpu.memory_space<vmem>> -> memref<8x4096xf32, #tpu.memory_space<vmem>>
        %dma_wait3A_157 = arith.constant 0 : i32
        %dma_wait3A_158 = arith.constant 0 : i32
        %dma_wait3A_159 = tpu.memref_slice %arg3[%select_n3A_94, %dma_wait3A_157, %dma_wait3A_158] : memref<26x1000x4096xf32, #tpu.memory_space<hbm>> -> memref<1x8x4096xf32, #tpu.memory_space<hbm>>
        %dma_wait3A_160 = tpu.memref_squeeze %dma_wait3A_159 : memref<1x8x4096xf32, #tpu.memory_space<hbm>> -> memref<8x4096xf32, #tpu.memory_space<hbm>>
        %dma_wait3A_161 = arith.constant 0 : i32
        %dma_wait3A_162 = arith.constant 0 : i32
        %dma_wait3A_163 = tpu.memref_slice %arg3[%select_n3A_94, %dma_wait3A_161, %dma_wait3A_162] : memref<26x1000x4096xf32, #tpu.memory_space<hbm>> -> memref<1x8x4096xf32, #tpu.memory_space<hbm>>
        %dma_wait3A_164 = tpu.memref_squeeze %dma_wait3A_163 : memref<1x8x4096xf32, #tpu.memory_space<hbm>> -> memref<8x4096xf32, #tpu.memory_space<hbm>>
        %dma_wait3A_165 = arith.constant 0 : i32
        %dma_wait3A_166 = tpu.memref_slice %arg5[%mul3A_155, %dma_wait3A_165] : memref<16x4096xf32, #tpu.memory_space<vmem>> -> memref<8x4096xf32, #tpu.memory_space<vmem>>
        tpu.wait_dma2 semaphore(%arg6 : memref<!tpu.dma_semaphore, #tpu.memory_space<semaphore_mem>>) src(%dma_wait3A_166 : memref<8x4096xf32, #tpu.memory_space<vmem>>) dst(%dma_wait3A_164 : memref<8x4096xf32, #tpu.memory_space<hbm>>)
      } else {
      }
      %scan3A_135 = arith.constant 0 : i32
      %scan3A_136 = arith.constant 0 : i32
      %scan3A_137 = arith.constant 256 : i32
      %scan3A_138 = arith.addi %scan3A_136, %scan3A_137 : i32
      %scan3A_139 = arith.constant 1 : i32
      %scan3A_140 = scf.for %scan3A_154 = %scan3A_136 to %scan3A_138 step %scan3A_139 iter_args(%scan3A_155 = %scan3A_135) -> (i32)  : i32 {
        %mul3A_156 = arith.constant 16 : i32
        %mul3A_157 = arith.muli %scan3A_154, %mul3A_156 : i32
        %get3A = arith.index_cast %mul3A_157 : i32 to index
        %get3A_158 = tpu.vector_load %arg4[%get3A] {strides = array<i32>} : memref<4096xi32, #tpu.memory_space<vmem>>, vector<16xi32>,
        %get3A_159 = vector.shape_cast %get3A_158 : vector<16xi32> to vector<16xi32>
        %sub3A_160 = vector.broadcast %mul3A_112 : i32 to vector<16xi32>
        %sub3A_161 = arith.subi %get3A_159, %sub3A_160 : vector<16xi32>
        %eq3A_162 = arith.constant 0 : i32
        %eq3A_163 = vector.broadcast %eq3A_162 : i32 to vector<16xi32>
        %eq3A_164 = arith.cmpi eq, %sub3A_161, %eq3A_163 : vector<16xi32>
        %select_n3A_165 = arith.select %eq3A_164, %broadcast_in_dim3A_50, %broadcast_in_dim3A_52 : vector<16xi1>, vector<16xf32>
        %mul3A_166 = arith.constant 8 : i32
        %mul3A_167 = arith.muli %and3A_110, %mul3A_166 : i32
        %add3A_168 = arith.constant 0 : i32
        %add3A_169 = arith.addi %mul3A_167, %add3A_168 : i32
        %mul3A_170 = arith.constant 16 : i32
        %mul3A_171 = arith.muli %scan3A_154, %mul3A_170 : i32
        %swap3A = arith.index_cast %add3A_169 : i32 to index
        %swap3A_172 = arith.index_cast %mul3A_171 : i32 to index
        %swap3A_173 = tpu.vector_load %arg5[%swap3A, %swap3A_172] {strides = array<i32>} : memref<16x4096xf32, #tpu.memory_space<vmem>>, vector<1x16xf32>,
        %swap3A_174 = vector.shape_cast %swap3A_173 : vector<1x16xf32> to vector<16xf32>
        %swap3A_175 = vector.shape_cast %select_n3A_165 : vector<16xf32> to vector<1x16xf32>
        tpu.vector_store %arg5[%swap3A, %swap3A_172], %swap3A_175 {strides = array<i32>} : memref<16x4096xf32, #tpu.memory_space<vmem>>, vector<1x16xf32>,
        %eq3A_176 = arith.constant 1 : i32
        %eq3A_177 = vector.broadcast %eq3A_176 : i32 to vector<16xi32>
        %eq3A_178 = arith.cmpi eq, %sub3A_161, %eq3A_177 : vector<16xi32>
        %select_n3A_179 = arith.select %eq3A_178, %broadcast_in_dim3A_50, %broadcast_in_dim3A_52 : vector<16xi1>, vector<16xf32>
        %mul3A_180 = arith.constant 8 : i32
        %mul3A_181 = arith.muli %and3A_110, %mul3A_180 : i32
        %add3A_182 = arith.constant 1 : i32
        %add3A_183 = arith.addi %mul3A_181, %add3A_182 : i32
        %mul3A_184 = arith.constant 16 : i32
        %mul3A_185 = arith.muli %scan3A_154, %mul3A_184 : i32
        %swap3A_186 = arith.index_cast %add3A_183 : i32 to index
        %swap3A_187 = arith.index_cast %mul3A_185 : i32 to index
        %swap3A_188 = tpu.vector_load %arg5[%swap3A_186, %swap3A_187] {strides = array<i32>} : memref<16x4096xf32, #tpu.memory_space<vmem>>, vector<1x16xf32>,
        %swap3A_189 = vector.shape_cast %swap3A_188 : vector<1x16xf32> to vector<16xf32>
        %swap3A_190 = vector.shape_cast %select_n3A_179 : vector<16xf32> to vector<1x16xf32>
        tpu.vector_store %arg5[%swap3A_186, %swap3A_187], %swap3A_190 {strides = array<i32>} : memref<16x4096xf32, #tpu.memory_space<vmem>>, vector<1x16xf32>,
        %eq3A_191 = arith.constant 2 : i32
        %eq3A_192 = vector.broadcast %eq3A_191 : i32 to vector<16xi32>
        %eq3A_193 = arith.cmpi eq, %sub3A_161, %eq3A_192 : vector<16xi32>
        %select_n3A_194 = arith.select %eq3A_193, %broadcast_in_dim3A_50, %broadcast_in_dim3A_52 : vector<16xi1>, vector<16xf32>
        %mul3A_195 = arith.constant 8 : i32
        %mul3A_196 = arith.muli %and3A_110, %mul3A_195 : i32
        %add3A_197 = arith.constant 2 : i32
        %add3A_198 = arith.addi %mul3A_196, %add3A_197 : i32
        %mul3A_199 = arith.constant 16 : i32
        %mul3A_200 = arith.muli %scan3A_154, %mul3A_199 : i32
        %swap3A_201 = arith.index_cast %add3A_198 : i32 to index
        %swap3A_202 = arith.index_cast %mul3A_200 : i32 to index
        %swap3A_203 = tpu.vector_load %arg5[%swap3A_201, %swap3A_202] {strides = array<i32>} : memref<16x4096xf32, #tpu.memory_space<vmem>>, vector<1x16xf32>,
        %swap3A_204 = vector.shape_cast %swap3A_203 : vector<1x16xf32> to vector<16xf32>
        %swap3A_205 = vector.shape_cast %select_n3A_194 : vector<16xf32> to vector<1x16xf32>
        tpu.vector_store %arg5[%swap3A_201, %swap3A_202], %swap3A_205 {strides = array<i32>} : memref<16x4096xf32, #tpu.memory_space<vmem>>, vector<1x16xf32>,
        %eq3A_206 = arith.constant 3 : i32
        %eq3A_207 = vector.broadcast %eq3A_206 : i32 to vector<16xi32>
        %eq3A_208 = arith.cmpi eq, %sub3A_161, %eq3A_207 : vector<16xi32>
        %select_n3A_209 = arith.select %eq3A_208, %broadcast_in_dim3A_50, %broadcast_in_dim3A_52 : vector<16xi1>, vector<16xf32>
        %mul3A_210 = arith.constant 8 : i32
        %mul3A_211 = arith.muli %and3A_110, %mul3A_210 : i32
        %add3A_212 = arith.constant 3 : i32
        %add3A_213 = arith.addi %mul3A_211, %add3A_212 : i32
        %mul3A_214 = arith.constant 16 : i32
        %mul3A_215 = arith.muli %scan3A_154, %mul3A_214 : i32
        %swap3A_216 = arith.index_cast %add3A_213 : i32 to index
        %swap3A_217 = arith.index_cast %mul3A_215 : i32 to index
        %swap3A_218 = tpu.vector_load %arg5[%swap3A_216, %swap3A_217] {strides = array<i32>} : memref<16x4096xf32, #tpu.memory_space<vmem>>, vector<1x16xf32>,
        %swap3A_219 = vector.shape_cast %swap3A_218 : vector<1x16xf32> to vector<16xf32>
        %swap3A_220 = vector.shape_cast %select_n3A_209 : vector<16xf32> to vector<1x16xf32>
        tpu.vector_store %arg5[%swap3A_216, %swap3A_217], %swap3A_220 {strides = array<i32>} : memref<16x4096xf32, #tpu.memory_space<vmem>>, vector<1x16xf32>,
        %eq3A_221 = arith.constant 4 : i32
        %eq3A_222 = vector.broadcast %eq3A_221 : i32 to vector<16xi32>
        %eq3A_223 = arith.cmpi eq, %sub3A_161, %eq3A_222 : vector<16xi32>
        %select_n3A_224 = arith.select %eq3A_223, %broadcast_in_dim3A_50, %broadcast_in_dim3A_52 : vector<16xi1>, vector<16xf32>
        %mul3A_225 = arith.constant 8 : i32
        %mul3A_226 = arith.muli %and3A_110, %mul3A_225 : i32
        %add3A_227 = arith.constant 4 : i32
        %add3A_228 = arith.addi %mul3A_226, %add3A_227 : i32
        %mul3A_229 = arith.constant 16 : i32
        %mul3A_230 = arith.muli %scan3A_154, %mul3A_229 : i32
        %swap3A_231 = arith.index_cast %add3A_228 : i32 to index
        %swap3A_232 = arith.index_cast %mul3A_230 : i32 to index
        %swap3A_233 = tpu.vector_load %arg5[%swap3A_231, %swap3A_232] {strides = array<i32>} : memref<16x4096xf32, #tpu.memory_space<vmem>>, vector<1x16xf32>,
        %swap3A_234 = vector.shape_cast %swap3A_233 : vector<1x16xf32> to vector<16xf32>
        %swap3A_235 = vector.shape_cast %select_n3A_224 : vector<16xf32> to vector<1x16xf32>
        tpu.vector_store %arg5[%swap3A_231, %swap3A_232], %swap3A_235 {strides = array<i32>} : memref<16x4096xf32, #tpu.memory_space<vmem>>, vector<1x16xf32>,
        %eq3A_236 = arith.constant 5 : i32
        %eq3A_237 = vector.broadcast %eq3A_236 : i32 to vector<16xi32>
        %eq3A_238 = arith.cmpi eq, %sub3A_161, %eq3A_237 : vector<16xi32>
        %select_n3A_239 = arith.select %eq3A_238, %broadcast_in_dim3A_50, %broadcast_in_dim3A_52 : vector<16xi1>, vector<16xf32>
        %mul3A_240 = arith.constant 8 : i32
        %mul3A_241 = arith.muli %and3A_110, %mul3A_240 : i32
        %add3A_242 = arith.constant 5 : i32
        %add3A_243 = arith.addi %mul3A_241, %add3A_242 : i32
        %mul3A_244 = arith.constant 16 : i32
        %mul3A_245 = arith.muli %scan3A_154, %mul3A_244 : i32
        %swap3A_246 = arith.index_cast %add3A_243 : i32 to index
        %swap3A_247 = arith.index_cast %mul3A_245 : i32 to index
        %swap3A_248 = tpu.vector_load %arg5[%swap3A_246, %swap3A_247] {strides = array<i32>} : memref<16x4096xf32, #tpu.memory_space<vmem>>, vector<1x16xf32>,
        %swap3A_249 = vector.shape_cast %swap3A_248 : vector<1x16xf32> to vector<16xf32>
        %swap3A_250 = vector.shape_cast %select_n3A_239 : vector<16xf32> to vector<1x16xf32>
        tpu.vector_store %arg5[%swap3A_246, %swap3A_247], %swap3A_250 {strides = array<i32>} : memref<16x4096xf32, #tpu.memory_space<vmem>>, vector<1x16xf32>,
        %eq3A_251 = arith.constant 6 : i32
        %eq3A_252 = vector.broadcast %eq3A_251 : i32 to vector<16xi32>
        %eq3A_253 = arith.cmpi eq, %sub3A_161, %eq3A_252 : vector<16xi32>
        %select_n3A_254 = arith.select %eq3A_253, %broadcast_in_dim3A_50, %broadcast_in_dim3A_52 : vector<16xi1>, vector<16xf32>
        %mul3A_255 = arith.constant 8 : i32
        %mul3A_256 = arith.muli %and3A_110, %mul3A_255 : i32
        %add3A_257 = arith.constant 6 : i32
        %add3A_258 = arith.addi %mul3A_256, %add3A_257 : i32
        %mul3A_259 = arith.constant 16 : i32
        %mul3A_260 = arith.muli %scan3A_154, %mul3A_259 : i32
        %swap3A_261 = arith.index_cast %add3A_258 : i32 to index
        %swap3A_262 = arith.index_cast %mul3A_260 : i32 to index
        %swap3A_263 = tpu.vector_load %arg5[%swap3A_261, %swap3A_262] {strides = array<i32>} : memref<16x4096xf32, #tpu.memory_space<vmem>>, vector<1x16xf32>,
        %swap3A_264 = vector.shape_cast %swap3A_263 : vector<1x16xf32> to vector<16xf32>
        %swap3A_265 = vector.shape_cast %select_n3A_254 : vector<16xf32> to vector<1x16xf32>
        tpu.vector_store %arg5[%swap3A_261, %swap3A_262], %swap3A_265 {strides = array<i32>} : memref<16x4096xf32, #tpu.memory_space<vmem>>, vector<1x16xf32>,
        %eq3A_266 = arith.constant 7 : i32
        %eq3A_267 = vector.broadcast %eq3A_266 : i32 to vector<16xi32>
        %eq3A_268 = arith.cmpi eq, %sub3A_161, %eq3A_267 : vector<16xi32>
        %select_n3A_269 = arith.select %eq3A_268, %broadcast_in_dim3A_50, %broadcast_in_dim3A_52 : vector<16xi1>, vector<16xf32>
        %mul3A_270 = arith.constant 8 : i32
        %mul3A_271 = arith.muli %and3A_110, %mul3A_270 : i32
        %add3A_272 = arith.constant 7 : i32
        %add3A_273 = arith.addi %mul3A_271, %add3A_272 : i32
        %mul3A_274 = arith.constant 16 : i32
        %mul3A_275 = arith.muli %scan3A_154, %mul3A_274 : i32
        %swap3A_276 = arith.index_cast %add3A_273 : i32 to index
        %swap3A_277 = arith.index_cast %mul3A_275 : i32 to index
        %swap3A_278 = tpu.vector_load %arg5[%swap3A_276, %swap3A_277] {strides = array<i32>} : memref<16x4096xf32, #tpu.memory_space<vmem>>, vector<1x16xf32>,
        %swap3A_279 = vector.shape_cast %swap3A_278 : vector<1x16xf32> to vector<16xf32>
        %swap3A_280 = vector.shape_cast %select_n3A_269 : vector<16xf32> to vector<1x16xf32>
        tpu.vector_store %arg5[%swap3A_276, %swap3A_277], %swap3A_280 {strides = array<i32>} : memref<16x4096xf32, #tpu.memory_space<vmem>>, vector<1x16xf32>,
        %scan3A_281 = arith.constant 0 : i32
        scf.yield %scan3A_281 : i32
      }
      %scan3A_141 = arith.constant 256 : i32
      %mul3A_142 = arith.constant 8 : i32
      %mul3A_143 = arith.muli %and3A_110, %mul3A_142 : i32
      %dma_start3A = arith.constant 0 : i32
      %dma_start3A_144 = tpu.memref_slice %arg5[%mul3A_143, %dma_start3A] : memref<16x4096xf32, #tpu.memory_space<vmem>> -> memref<8x4096xf32, #tpu.memory_space<vmem>>
      %dma_start3A_145 = arith.constant 0 : i32
      %dma_start3A_146 = tpu.memref_slice %arg3[%select_n3A_94, %mul3A_112, %dma_start3A_145] : memref<26x1000x4096xf32, #tpu.memory_space<hbm>> -> memref<1x8x4096xf32, #tpu.memory_space<hbm>>
      %dma_start3A_147 = tpu.memref_squeeze %dma_start3A_146 : memref<1x8x4096xf32, #tpu.memory_space<hbm>> -> memref<8x4096xf32, #tpu.memory_space<hbm>>
      %dma_start3A_148 = arith.constant 0 : i32
      %dma_start3A_149 = tpu.memref_slice %arg3[%select_n3A_94, %mul3A_112, %dma_start3A_148] : memref<26x1000x4096xf32, #tpu.memory_space<hbm>> -> memref<1x8x4096xf32, #tpu.memory_space<hbm>>
      %dma_start3A_150 = tpu.memref_squeeze %dma_start3A_149 : memref<1x8x4096xf32, #tpu.memory_space<hbm>> -> memref<8x4096xf32, #tpu.memory_space<hbm>>
      %dma_start3A_151 = arith.constant 0 : i32
      %dma_start3A_152 = tpu.memref_slice %arg5[%mul3A_143, %dma_start3A_151] : memref<16x4096xf32, #tpu.memory_space<vmem>> -> memref<8x4096xf32, #tpu.memory_space<vmem>>
      tpu.enqueue_dma source(%dma_start3A_152 : memref<8x4096xf32, #tpu.memory_space<vmem>>) target(%dma_start3A_150 : memref<8x4096xf32, #tpu.memory_space<hbm>>) target_semaphore(%arg6 : memref<!tpu.dma_semaphore, #tpu.memory_space<semaphore_mem>>)
      %while3A_153 = arith.constant 0 : i32
      scf.yield %while3A_153 : i32
    }
    %scan3A = arith.constant 0 : i32
    %scan3A_64 = arith.constant 0 : i32
    %scan3A_65 = arith.constant 2 : i32
    %scan3A_66 = arith.addi %scan3A_64, %scan3A_65 : i32
    %scan3A_67 = arith.constant 1 : i32
    %scan3A_68 = scf.for %scan3A_70 = %scan3A_64 to %scan3A_66 step %scan3A_67 iter_args(%scan3A_71 = %scan3A) -> (i32)  : i32 {
      %mul3A_72 = arith.constant 8 : i32
      %mul3A_73 = arith.muli %scan3A_70, %mul3A_72 : i32
      %dma_wait3A = arith.constant 0 : i32
      %dma_wait3A_74 = arith.constant 0 : i32
      %dma_wait3A_75 = tpu.memref_slice %arg5[%mul3A_73, %dma_wait3A_74] : memref<16x4096xf32, #tpu.memory_space<vmem>> -> memref<8x4096xf32, #tpu.memory_space<vmem>>
      %dma_wait3A_76 = arith.constant 0 : i32
      %dma_wait3A_77 = arith.constant 0 : i32
      %dma_wait3A_78 = tpu.memref_slice %arg3[%dma_wait3A, %dma_wait3A_76, %dma_wait3A_77] : memref<26x1000x4096xf32, #tpu.memory_space<hbm>> -> memref<1x8x4096xf32, #tpu.memory_space<hbm>>
      %dma_wait3A_79 = tpu.memref_squeeze %dma_wait3A_78 : memref<1x8x4096xf32, #tpu.memory_space<hbm>> -> memref<8x4096xf32, #tpu.memory_space<hbm>>
      %dma_wait3A_80 = arith.constant 0 : i32
      %dma_wait3A_81 = arith.constant 0 : i32
      %dma_wait3A_82 = tpu.memref_slice %arg3[%dma_wait3A, %dma_wait3A_80, %dma_wait3A_81] : memref<26x1000x4096xf32, #tpu.memory_space<hbm>> -> memref<1x8x4096xf32, #tpu.memory_space<hbm>>
      %dma_wait3A_83 = tpu.memref_squeeze %dma_wait3A_82 : memref<1x8x4096xf32, #tpu.memory_space<hbm>> -> memref<8x4096xf32, #tpu.memory_space<hbm>>
      %dma_wait3A_84 = arith.constant 0 : i32
      %dma_wait3A_85 = tpu.memref_slice %arg5[%mul3A_73, %dma_wait3A_84] : memref<16x4096xf32, #tpu.memory_space<vmem>> -> memref<8x4096xf32, #tpu.memory_space<vmem>>
      tpu.wait_dma2 semaphore(%arg6 : memref<!tpu.dma_semaphore, #tpu.memory_space<semaphore_mem>>) src(%dma_wait3A_85 : memref<8x4096xf32, #tpu.memory_space<vmem>>) dst(%dma_wait3A_83 : memref<8x4096xf32, #tpu.memory_space<hbm>>)
      %scan3A_86 = arith.constant 0 : i32
      scf.yield %scan3A_86 : i32
    }
    %scan3A_69 = arith.constant 2 : i32
    return
  }
}

</mosaic_0001>

<sc_bundles>
// kernel: kernel.3.cloned.1.call-start
scs
__scs_entry_jumppad:
0x0: {  	(pc) =	sbr.rel $0x88, $3  }
0x1: {  	(tag) =	ssettag $0x0;
	lr =	simm.s32 $0x1  }
0x2: {  	[smem:$0x3FA0] =	sst lr;
	_ =	strace $0xD0000000  }
0x3: {  	_ = 	snop  }
0x4: {  	_ = 	snop  }
0x5: {  	_ = 	snop  }
0x6: {  	_ = 	snop  }
0x7: {  	_ = 	snop  }
__scs_overlays_trampoline_lowered:
0x8: {  	[smem:$0x3FAF] =	sst s0  }
0x9: {  	[smem:$0x3FB0] =	sst s1  }
0xa: {  	[smem:$0x3FB1] =	sst s2  }
0xb: {  	[smem:$0x3FB2] =	sst s3  }
0xc: {  	[smem:$0x3FB3] =	sst s4  }
0xd: {  	[smem:$0x3FB4] =	sst s5  }
0xe: {  	[smem:$0x3FB5] =	sst s6  }
0xf: {  	[smem:$0x3FB6] =	sst s7  }
0x10: {  	[smem:$0x3FB7] =	sst s8  }
0x11: {  	[smem:$0x3FB8] =	sst s9;
	s0 =	simm.s32 @!p0 $0x0  }
0x12: {  	s1 =	sld [smem:$0x3F9E];
	s0 =	simm.s32 @p0 $0x1  }
0x13: {  	[smem:$0x3FB9] =	sst s0;
	s0 =	simm.s32 @!p1 $0x0  }
0x14: {  	s2 =	sld [smem:$0x3F9D];
	s0 =	simm.s32 @p1 $0x1  }
0x15: {  	[smem:$0x3FBA] =	sst s0;
	s0 =	simm.s32 @!p2 $0x0  }
0x16: {  	s3 =	sld [smem:$0x3FDB];
	s0 =	simm.s32 @p2 $0x1  }
0x17: {  	s4 =	simm.s32 $0x1BF5;
	[smem:$0x3FBC] =	sst s0  }
0x18: {  	s0 =	sld [smem:$0x3F9F];
	_ =	swait.ge [sflag:s4], $0x0  }
0x19: {  	s7 =	sld [smem:$0x3FA0]  }
0x1a: {  	s8 =	sadd.s32 $0xFFFFE003, lr  }
0x1b: {  	s9 =	sadd.s32 $0xFFFFFEF7, lr;
	s5 =	simm.s32 $0xFFFFFFFF;
	p2 =	slt.u32 s8, $0xFFFFF086  }
0x1c: {  	p1 =	slt.u32 s9, $0xF7A;
	s5 =	simm.s32 @!p2 $0x0  }
0x1d: {  	s5 =	simm.s32 @p1 $0x1;
	p0 =	seq.s32 s7, s2  }
0x1e: {  	s7 =	smul.u32 @!p0 $0xF7A, s2;
	p2 =	seq.s32 @!p0 s5, $0x0  }
0x1f: {  	s9 =	smul.u32 $0xF7A, s1;
	s8 =	simm.s32 @!p0 $0x1BF5;
	p2 =	por !p2, p0  }
0x20: {  	[sflag:s8] =	ssyncset.s32 @!p0 $0xFFFFF086;
	s6 =	sadd.s32 @!p0 s3, s7;
	s7 =	simm.s32 @!p0 $0x108  }
0x21: {  	s3 =	sadd.s32 s3, s9;
	s6 =	sadd.s32 @!p0 $0x88, s6;
	s7 =	simm.s32 @p2 $0x1082  }
0x22: {  	[simem:s7], [sflag:s8] =	dma.local @!p0 [hbm:s6], $0xF7A  }
0x23: {  	s9 =	sor.u32 $0xD0000000, s2;
	s6 =	simm.s32 $0x108;
	_ =	swait.ge @!p0 [sflag:s8], $0x0  }
0x24: {  	s3 =	sadd.s32 $0x88, s3;
	s6 =	simm.s32 @!p1 $0x1082;
	[sflag:s4] =	ssyncset.s32 $0xFFFFF086  }
0x25: {  	[simem:s6], [sflag:s4] =	dma.local [hbm:s3], $0xF7A  }
0x26: {  	[smem:$0x3FA0] =	sst s1;
	(tag) =	ssettag s2;
	_ =	strace s9  }
0x27: {  	s1 =	sld [smem:$0x3FB0]  }
0x28: {  	s2 =	sld [smem:$0x3FB1]  }
0x29: {  	s4 =	sld [smem:$0x3FB3]  }
0x2a: {  	p0 =	seq.s32 s5, $0x0;
	s5 =	sld [smem:$0x3FB4]  }
0x2b: {  	s6 =	sld [smem:$0x3FB5]  }
0x2c: {  	s7 =	sld [smem:$0x3FB6]  }
0x2d: {  	s3 =	simm.s32 $0x108;
	s8 =	sld [smem:$0x3FB7]  }
0x2e: {  	s3 =	simm.s32 @!p0 $0x1082;
	s9 =	sld [smem:$0x3FB8]  }
0x2f: {  	lr =	sadd.s32 s0, s3;
	s0 =	sld [smem:$0x3FAF]  }
0x30: {  	s3 =	sld [smem:$0x3FB2]  }
0x31: {  	[smem:$0x3FBB] =	sst s10  }
0x32: {  	s10 =	sld [smem:$0x3FB9];
	_ =	sdelay $0x3  }
0x33: {  	p0 =	seq.s32 s10, $0x1;
	s10 =	sld [smem:$0x3FBB];
	_ =	sdelay $0x3  }
0x34: {  	[smem:$0x3FBB] =	sst s10  }
0x35: {  	s10 =	sld [smem:$0x3FBA];
	_ =	sdelay $0x3  }
0x36: {  	p1 =	seq.s32 s10, $0x1;
	s10 =	sld [smem:$0x3FBB];
	_ =	sdelay $0x3  }
0x37: {  	[smem:$0x3FBB] =	sst s10  }
0x38: {  	s10 =	sld [smem:$0x3FBC]  }
0x39: {  	_ = 	snop;
	(pc) =	sbr.ind lr, $3  }
0x3a: {  	_ = 	snop  }
0x3b: {  	_ = 	snop  }
0x3c: {  	p2 =	seq.s32 s10, $0x1;
	s10 =	sld [smem:$0x3FBB]  }
0x3d: {  	_ =	shalt  }
0x3e: {  	_ =	shalt  }
0x3f: {  	_ =	shalt  }
0x40: {  	_ =	shalt  }
0x41: {  	_ =	shalt  }
0x42: {  	_ =	shalt  }
0x43: {  	_ =	shalt  }
0x44: {  	_ =	shalt  }
0x45: {  	_ =	shalt  }
0x46: {  	_ =	shalt  }
0x47: {  	_ =	shalt  }
0x48: {  	_ =	shalt  }
0x49: {  	_ =	shalt  }
0x4a: {  	_ =	shalt  }
0x4b: {  	_ =	shalt  }
0x4c: {  	_ =	shalt  }
0x4d: {  	_ =	shalt  }
0x4e: {  	_ =	shalt  }
0x4f: {  	_ =	shalt  }
0x50: {  	_ =	shalt  }
0x51: {  	_ =	shalt  }
0x52: {  	_ =	shalt  }
0x53: {  	_ =	shalt  }
0x54: {  	_ =	shalt  }
0x55: {  	_ =	shalt  }
0x56: {  	_ =	shalt  }
0x57: {  	_ =	shalt  }
0x58: {  	_ =	shalt  }
0x59: {  	_ =	shalt  }
0x5a: {  	_ =	shalt  }
0x5b: {  	_ =	shalt  }
0x5c: {  	_ =	shalt  }
0x5d: {  	_ =	shalt  }
0x5e: {  	_ =	shalt  }
0x5f: {  	_ =	shalt  }
0x60: {  	_ =	shalt  }
0x61: {  	_ =	shalt  }
0x62: {  	_ =	shalt  }
0x63: {  	_ =	shalt  }
0x64: {  	_ =	shalt  }
0x65: {  	_ =	shalt  }
0x66: {  	_ =	shalt  }
0x67: {  	_ =	shalt  }
0x68: {  	_ =	shalt  }
0x69: {  	_ =	shalt  }
0x6a: {  	_ =	shalt  }
0x6b: {  	_ =	shalt  }
0x6c: {  	_ =	shalt  }
0x6d: {  	_ =	shalt  }
0x6e: {  	_ =	shalt  }
0x6f: {  	_ =	shalt  }
0x70: {  	_ =	shalt  }
0x71: {  	_ =	shalt  }
0x72: {  	_ =	shalt  }
0x73: {  	_ =	shalt  }
0x74: {  	_ =	shalt  }
0x75: {  	_ =	shalt  }
0x76: {  	_ =	shalt  }
0x77: {  	_ =	shalt  }
0x78: {  	_ =	shalt  }
0x79: {  	_ =	shalt  }
0x7a: {  	_ =	shalt  }
0x7b: {  	_ =	shalt  }
0x7c: {  	_ =	shalt  }
0x7d: {  	_ =	shalt  }
0x7e: {  	_ =	shalt  }
0x7f: {  	_ =	shalt  }
0x80: {  	_ =	shalt  }
0x81: {  	_ =	shalt  }
0x82: {  	_ =	shalt  }
0x83: {  	_ =	shalt  }
0x84: {  	_ =	shalt  }
0x85: {  	_ =	shalt  }
0x86: {  	_ =	shalt  }
0x87: {  	_ =	shalt  }
.Lfunc_end0:
.L_simem_size_0:
called_computation_lowered:
.L_overlay_start_0:
0x88: {  	s2 =	sld [smem:$0x3FD9]  }
0x89: {  	s3 =	sld [smem:$0x3FFE];
	_ =	sdelay $0x1  }
0x8a: {  	s1 =	srdreg.scid  }
0x8b: {  	s0 =	sand.u32 $0x1, s1  }
0x8c: {  	s18 =	sshll.u32 s0, $0xA;
	s2 =	sadd.s32 s3, s2  }
0x8d: {  	s2 =	sadd.s32 s2, s18  }
0x8e: {  	[smem:$0x3FC7] =	sst s2  }
0x8f: {  	_ = 	snop  }
0x90: {  	s2 =	sld [smem:$0x3FC9]  }
0x91: {  	s19 =	sld [smem:$0x3FD0];
	(tm) =	ssettm $0x1  }
0x92: {  	s4 =	sld [smem:$0x3FFB];
	_ =	sdelay $0x3  }
0x93: {  	_ =	strace s4  }
0x94: {  	s4 =	sld [smem:$0x3FFC];
	_ =	sdelay $0x3  }
0x95: {  	_ =	strace s4  }
0x96: {  	s4 =	sld [smem:$0x3FFD];
	_ =	sdelay $0x3  }
0x97: {  	_ =	strace s4  }
0x98: {  	_ =	strace $0x8FFFFFFF  }
0x99: {  	s20 =	sld [smem:$0x3FDB];
	_ =	sdelay $0x1  }
0x9a: {  	s5 =	simm.s32 $_scs_section_size  }
0x9b: {  	s6 =	simm.s32 $_size__tile_overlayer_lowered;
	s7 =	simm.s32 $_tile_overlayer_lowered  }
0x9c: {  	s23 =	simm.s32 $0x1BFF;
	s22 =	sshll.u32 s7, $0x1;
	s4 =	sadd.s32 s5, s20  }
0x9d: {  	s8 =	simm.s32 $0x0;
	s21 =	sshll.u32 s6, $0x1;
	s6 =	sadd.s32 s22, s4  }
0x9e: {  	[timem:s8], [sflag:s23] =	dma.local [hbm:s6], s21  }
0x9f: {  	_ =	swait.ge [sflag:s23], s21  }
0xa0: {  	s5 =	ssub.s32 $0x0, s21;
	[sflag:s23] =	ssyncset.done $0x0  }
0xa1: {  	[sflag:s23] =	ssyncadd.s32 s5;
	_ =	sdelay $0x1  }
0xa2: {  	s24 =	simm.s32 $0x1B8B  }
0xa3: {  	_ =	swait.ge [sflag:s24], $0x1  }
0xa4: {  	[sflag:s24] =	ssyncset.done $0x0  }
0xa5: {  	s25 =	simm.s32 $0x1B8E;
	[sflag:s24] =	ssyncadd.s32 $0xFFFFFFFF  }
0xa6: {  	s26 =	simm.s32 $execute0_lowered;
	[smem:$0x3FD2] =	sst s25  }
0xa7: {  	s5 =	sshll.u32 s26, $0x1;
	_ =	strace $0x80000046;
	[dreg:$0x1] =	wrdreg $0xFFFFFFFF  }
0xa8: {  	s28 =	simm.s32 $_size_execute0_lowered;
	s4 =	sadd.s32 s4, s5;
	[dreg:$0x0] =	wrdreg $0x0  }
0xa9: {  	s5 =	sshll.u32 s28, $0x1;
	[dreg:$0x2] =	wrdreg s4  }
0xaa: {  	[dreg:$0x3] =	wrdreg s5  }
0xab: {  	[dreg:$0x4] =	wrdreg $0xC0  }
0xac: {  	_ =	task [dreg:s8], $0x5FFFF  }
0xad: {  	[dreg:$0x1] =	wrdreg $0xFFFFFFFF  }
0xae: {  	[dreg:$0x0] =	wrdreg $0x60  }
0xaf: {  	[dreg:$0x2] =	wrdreg s2  }
0xb0: {  	[dreg:$0x3] =	wrdreg s19  }
0xb1: {  	[dreg:$0x4] =	wrdreg $0x9  }
0xb2: {  	_ =	task.clear_ibuf [dreg:s8], $0x5FFFF;
	_ =	strace $0x90000046  }
0xb3: {  	s29 =	simm.s32 $0x9;
	_ =	strace $0x80000048  }
0xb4: {  	_ =	swait.ge [sflag:s29], $0x1  }
0xb5: {  	[sflag:s29] =	ssyncadd.s32 $0xFFFFFFFF  }
0xb6: {  	_ =	strace $0x90000048  }
0xb7: {  	_ =	sfence  }
0xb8: {  	s30 =	sld [smem:$0x0];
	_ =	sdelay $0x2  }
0xb9: {  	s31 =	sshll.u32 s1, $0xD;
	s1 =	sshrl.u32 s1, $0x2  }
0xba: {  	s3 =	sand.u32 $0x4000, s31;
	s1 =	sadd.s32 s1, s30  }
0xbb: {  	s0 =	sor.u32 s3, s0;
	s1 =	sshll.u32 s1, $0x11  }
0xbc: {  	s0 =	sor.u32 s1, s0  }
0xbd: {  	s0 =	sadd.s32 $0x8F2B, s0  }
0xbe: {  	[sflag:s0] =	ssyncadd.remote.s32 $0x1  }
0xbf: {  	_ =	sfence.sel $0xFFFF  }
0xc0: {  	[dreg:$0x0] =	wrdreg $0xFFFFFFFF;
	(pc) =	sbr.abs _section_cstart, $3  }
0xc1: {  	[dreg:$0x1] =	wrdreg $0xFFFFFFFF  }
0xc2: {  	_ =	task.clear_ibuf [dreg:s8], $0x2FFFF;
	_ =	strace $0x9FFFFFFF  }
0xc3: {  	(tm) =	ssettm $0x7FFFFFFF  }
tec
execute0_lowered:
.L_overlay_start_1:
0x0: {  	(tag) =	ssettag $0x1  }
0x1: {  	s0 =	srdreg.scid  }
0x2: {  	s7 =	sand.u32 $0x1, s0  }
0x3: {  	s0 =	stileid.u32;
	s1 =	sshll.u32 s7, $0x4  }
0x4: {  	s1 =	sor.u32 s0, s1  }
0x5: {  	s2 =	rddreg [dreg:$0x0];
	s1 =	smul.u32 $0x7D, s1  }
0x6: {  	s3 =	rddreg [dreg:$0x1]  }
0x7: {  	s10 =	simm.s32 $0x1;
	s8 =	ssub.s32 $0x2, s7;
	s5 =	sadd.s32 $0x7D, s1  }
0x8: {  	s9 =	sshrl.u32 s8, $0x1;
	s4 =	sshrl.u32 s1, $0x5;
	s6 =	sshrl.u32 s5, $0x5  }
.Ltmp0:
0x9: {  	s9 =	ssub.s32 s8, s9;
	s6 =	ssub.s32 s6, s4;
	(pc) =	sbr.rel .LBB2_1-.Ltmp0, $4  }
0xa: {  	s1 =	rddreg [dreg:$0x2];
	s5 =	simm.s32 $0x0;
	s7 =	smul.u32 $0x1A, s6  }
0xb: {  	s11 =	simm.s32 $0x0;
	s9 =	smax.u32 s9, $0x1;
	[smem:$0x7FF] =	sst s5  }
0xc: {  	_ =	strace $0x80000047;
	s31 =	sshra.s32 s6, $0x1F;
	p0 =	sgt.s32 s7, $0x1  }
0xd: {  	v0 =	vimm.f32 $0.0e+00;
	s8 =	sor.u32 $0x1, s31;
	s7 =	simm.s32 @!p0 $0x1;
	p0 =	sgt.s32 s6, $0x0  }
.LBB2_2:
0xe: {  	s11 =	sadd.s32 $0x1, s11  }
0xf: {  	_ =	swait.ge [sflag:s10], $0x8000;
	p1 =	seq.s32 s11, s9  }
.Ltmp1:
0x10: {  	[sflag:s10] =	ssyncset.done $0x0;
	(pc) =	sbr.rel @p1 .LBB2_3-.Ltmp1, $4  }
0x11: {  	[sflag:s10] =	ssyncadd.s32 $0xFFFF8000  }
0x12: {  	_ =	swait.ge [sflag:s10], $0x8000  }
0x13: {  	[sflag:s10] =	ssyncset.done $0x0  }
0x14: {  	[sflag:s10] =	ssyncadd.s32 $0xFFFF8000  }
.LBB2_1:
.Ltmp2:
0x15: {  	(pc) =	sbr.rel @!p0 .LBB2_2-.Ltmp2, $2  }
0x16: {  	_ =	sdelay $0x2  }
0x17: {  	s12 =	simm.s32 $0x0;
	s13 =	simm.s32 $0x0  }
.LBB2_4:
0x18: {  	(drf) =	sdiv.u32 s13, s6;
	_ =	sdelay $0x2  }
0x19: {  	p1 =	sgt.s32 s13, $0x0;
	s14 =	simm.s32 $0x1  }
0x1a: {  	s14 =	simm.s32 @!p1 $0x0;
	p1 =	slt.s32 s13, $0x0  }
0x1b: {  	s14 =	simm.s32 @p1 $0xFFFFFFFF  }
0x1c: {  	p1 =	sne.s32 s12, $0x0;
	p2 =	sne.s32 s14, s8  }
0x1d: {  	p2 =	por !p2, !p1  }
0x1e: {  	s14 =	simm.s32 $0x1;
	p2 =	por !p2, !p2  }
0x1f: {  	s14 =	simm.s32 @!p2 $0x0;
	s15 =	spop (drf)  }
0x20: {  	s14 =	ssub.s32 s15, s14  }
0x21: {  	s15 =	sshll.u32 @!p1 s14, $0xC;
	s16 =	sshll.u32 @!p1 s14, $0x7  }
0x22: {  	s15 =	sand.u32 @!p1 $0xFFFF8000, s15;
	s16 =	sand.u32 @!p1 $0x380, s16  }
0x23: {  	s15 =	sor.u32 @!p1 s16, s15  }
0x24: {  	s17 =	simm.s32 @!p1 $0x400;
	s15 =	sshrl.u32 @!p1 s15, $0x3  }
0x25: {  	s18 =	simm.s32 @!p1 $0x0;
	s16 =	simm.s32 @!p1 $0x80;
	s15 =	sadd.s32 @!p1 s2, s15  }
0x26: {  	[tilespmem:s18], [sflag:$0x2] =	stream.strided.gather @!p1 [hbm4b:s15+s16], $0x1000, s17, s16, $0x38;
	[tilespmem:$0x11000] =	vst v63  }
0x27: {  	s15 =	simm.s32 @!p1 $0x2  }
0x28: {  	_ =	swait.ge @!p1 [sflag:s15], $0x1000  }
0x29: {  	p2 =	slt.u32 s13, $0x2;
	[sflag:s15] =	ssyncset.done @!p1 $0x0  }
0x2a: {  	[sflag:s15] =	ssyncadd.s32 @!p1 $0xFFFFF000;
	s15 =	simm.s32 @!p2 $0x1  }
0x2b: {  	_ =	swait.ge @!p2 [sflag:s15], $0x8000  }
0x2c: {  	[sflag:s15] =	ssyncset.done @!p2 $0x0  }
0x2d: {  	s17 =	simm.s32 $0x0;
	[sflag:s15] =	ssyncadd.s32 @!p2 $0xFFFF8000  }
0x2e: {  	v3 =	vld [tilespmem:s17+$0x0];
	_ =	sdelay $0x1  }
0x2f: {  	s29 =	sshll.u32 s13, $0xF;
	s16 =	sadd.s32 s4, s12  }
0x30: {  	s30 =	sshll.u32 s16, $0x3;
	s15 =	sand.u32 $0x8000, s29  }
0x31: {  	s31 =	sand.u32 $0x7C00, s17;
	v1 =	vmov s30;
	s15 =	sor.u32 $0x1000, s15  }
0x32: {  	s19 =	sand.u32 $0x70, s17;
	s18 =	sadd.s32 s31, s15;
	v2 =	vsub.s32 v3, v1;
	vm0 =	veq.s32 v3, v1  }
0x33: {  	s18 =	sadd.s32 s19, s18;
	v3 =	vsel vm0, $0x3F800000, v0;
	vm1 =	veq.s32 v2, $0x1;
	vm0 =	veq.s32 v2, $0x2  }
0x34: {  	s20 =	simm.s32 $0x0;
	s19 =	simm.s32 $0x10;
	vm2 =	veq.s32 v2, $0x4;
	[tilespmem:s18+$0x0] =	vst v3;
	v3 =	vsel vm1, $0x3F800000, v0;
	vm1 =	veq.s32 v2, $0x7  }
.LBB2_5:
0x35: {  	p1 =	sne.s32 s19, $0xFF0;
	[tilespmem:s18+$0x80] =	vst v3;
	v3 =	vsel vm0, $0x3F800000, v0;
	v4 =	vsel vm2, $0x3F800000, v0;
	v5 =	vsel vm1, $0x3F800000, v0;
	s17 =	sadd.s32 $0x80, s17;
	s20 =	sadd.s32 $0x10, s20  }
0x36: {  	vm0 =	veq.s32 v2, $0x3;
	vm1 =	veq.s32 v2, $0x5;
	vm2 =	veq.s32 v2, $0x6;
	s21 =	smov.u32 s19;
	s19 =	sadd.s32 $0x10, s19;
	[tilespmem:s18+$0x100] =	vst v3  }
0x37: {  	v2 =	vsel vm0, $0x3F800000, v0;
	v3 =	vsel vm1, $0x3F800000, v0;
	[tilespmem:s18+$0x200] =	vst v4;
	v4 =	vsel vm2, $0x3F800000, v0  }
0x38: {  	[tilespmem:s18+$0x300] =	vst v4  }
0x39: {  	[tilespmem:s18+$0x380] =	vst v5  }
0x3a: {  	[tilespmem:s18+$0x280] =	vst v3  }
0x3b: {  	[tilespmem:s18+$0x180] =	vst v2  }
0x3c: {  	v3 =	vld [tilespmem:s20+$0x0];
	_ =	sdelay $0x2  }
.Ltmp3:
0x3d: {  	(pc) =	sbr.rel @p1 .LBB2_5-.Ltmp3, $4  }
0x3e: {  	s18 =	sand.u32 $0x7C00, s17  }
0x3f: {  	s21 =	sand.u32 $0x70, s21;
	s18 =	sadd.s32 s18, s15;
	v2 =	vsub.s32 v3, v1;
	vm0 =	veq.s32 v3, v1  }
0x40: {  	s18 =	sadd.s32 s21, s18;
	v3 =	vsel vm0, $0x3F800000, v0;
	vm1 =	veq.s32 v2, $0x1;
	vm0 =	veq.s32 v2, $0x2  }
0x41: {  	vm2 =	veq.s32 v2, $0x4;
	[tilespmem:s18+$0x0] =	vst v3;
	v3 =	vsel vm1, $0x3F800000, v0;
	vm1 =	veq.s32 v2, $0x7  }
0x42: {  	[tilespmem:s18+$0x80] =	vst v3;
	v1 =	vsel vm0, $0x3F800000, v0  }
0x43: {  	v3 =	vsel vm2, $0x3F800000, v0;
	vm13 =	veq.s32 v2, $0x6;
	s13 =	sadd.s32 $0x1, s13;
	[tilespmem:s18+$0x100] =	vst v1  }
0x44: {  	s14 =	smul.u32 $0x3E8000, s14;
	[tilespmem:s18+$0x200] =	vst v3;
	v1 =	vsel vm13, $0x3F800000, v0;
	p2 =	seq.s32 s13, s7  }
.Ltmp4:
0x45: {  	s16 =	sshll.u32 s16, $0xF;
	vm15 =	veq.s32 v2, $0x3;
	v3 =	vsel vm1, $0x3F800000, v0;
	[tilespmem:s18+$0x300] =	vst v1;
	(pc) =	sbr.rel @!p2 .LBB2_4-.Ltmp4, $4  }
.Ltmp5:
0x46: {  	vm14 =	veq.s32 v2, $0x5;
	s12 =	sadd.s32 $0x1, s12;
	v2 =	vsel vm15, $0x3F800000, v0;
	[tilespmem:s18+$0x380] =	vst v3;
	s14 =	sadd.s32 s16, s14;
	(pc) =	sbr.rel @p2 .LBB2_2-.Ltmp5, $4  }
0x47: {  	p1 =	seq.s32 s12, s6;
	v1 =	vsel vm14, $0x3F800000, v0;
	[tilespmem:s18+$0x180] =	vst v2;
	s14 =	sshrl.u32 s14, $0x3  }
0x48: {  	s12 =	simm.s32 @p1 $0x0;
	[tilespmem:s18+$0x280] =	vst v1;
	s14 =	sadd.s32 s3, s14  }
0x49: {  	[hbm4b:s14+s5] =	stream.linear.scatter [tilespmem:s15], [sflag:$0x1], $0x8000, $0x38;
	[tilespmem:$0x11000] =	vst v63  }
0x4a: {  	_ = 	snop  }
.LBB2_3:
0x4b: {  	_ =	sfence.sel $0x180000  }
0x4c: {  	[bflag:$0x0] =	sbarrier.arrive $0xFFFF  }
0x4d: {  	p0 =	sne.s32 s0, $0x0;
	_ =	strace $0x90000047  }
0x4e: {  	s0 =	sadd.s32 @!p0 $0x100000, s1;
	[bflag:$0x2] =	sbarrier.arrive $0xFFFF  }
0x4f: {  	[sflag:s0] =	ssyncadd.tile.s32 @!p0 $0x1;
	_ =	shalt  }
.Lfunc_end2:
_tile_overlayer_lowered:
.L_overlay_start_2:
0x50: {  	(tag) =	ssettag $0x2  }
0x51: {  	s0 =	rddreg [dreg:$0x0];
	s2 =	stileid.u32  }
0x52: {  	s1 =	rddreg [dreg:$0x1];
	p0 =	sne.s32 s2, $0x0  }
0x53: {  	s3 =	rddreg [dreg:$0x2];
	[bflag:$0x3] =	sbarrier.arrive $0xFFFF;
	s2 =	simm.s32 @!p0 $0x1C02  }
0x54: {  	[timem:s3], [sflag:s2] =	dma.local @!p0 [hbm:s0], s1  }
0x55: {  	s0 =	simm.s32 @!p0 $0x2  }
0x56: {  	_ =	swait.ge @!p0 [sflag:s0], s1  }
0x57: {  	s1 =	ssub.s32 @!p0 $0x0, s1;
	[sflag:s0] =	ssyncset.done @!p0 $0x0  }
0x58: {  	[sflag:s0] =	ssyncadd.s32 @!p0 s1  }
0x59: {  	[bflag:$0x3] =	sbarrier.arrive $0xFFFF  }
0x5a: {  	_ =	shalt  }

</sc_bundles>
